<compile_context>
chip_gen: v7x
topology: tpu7x:2x2x1
jax: 0.10.2.dev20260603
libtpu: 0.0.44.dev20260713+nightly
codegen_flags: <defaults>
</compile_context>

<pallas_src>
import functools

import jax
import jax.numpy as jnp
from jax import lax
from jax.experimental import pallas as pl
from jax.experimental.pallas import tpu as pltpu
from jax.experimental.pallas import tpu_sc as plsc

_NC = 2
_NS = 16
_NW = _NC * _NS
_CHUNK = 128


@functools.lru_cache(maxsize=None)
def _make_lookup(B, D):
    b_per_w = B // _NW
    n_chunks = b_per_w // _CHUNK
    mesh = plsc.VectorSubcoreMesh(core_axis_name="c", subcore_axis_name="s")

    nbuf = 6
    gdepth = 3

    @functools.partial(
        pl.kernel,
        mesh=mesh,
        out_type=jax.ShapeDtypeStruct((B, D), jnp.float32),
        scratch_types=[
            pltpu.VMEM((b_per_w,), jnp.int32),
            pltpu.VMEM((nbuf * _CHUNK, D), jnp.float32),
            pltpu.SemaphoreType.DMA,
            pltpu.SemaphoreType.DMA,
        ],
    )
    def lookup(table_hbm, idx_hbm, out_hbm, idx_v, rows_v, gsem, ssem):
        wid = lax.axis_index("s") * _NC + lax.axis_index("c")
        base = wid * b_per_w
        pltpu.sync_copy(idx_hbm.at[pl.ds(base, b_per_w)], idx_v)

        def issue_gather(g, slot):
            off = pl.multiple_of(g * _CHUNK, _CHUNK)
            pltpu.async_copy(
                table_hbm.at[idx_v.at[pl.ds(off, _CHUNK)]],
                rows_v.at[pl.ds(slot * _CHUNK, _CHUNK)],
                gsem,
            )

        def wait_one(sem):
            pltpu.make_async_copy(
                out_hbm.at[pl.ds(base, _CHUNK)],
                rows_v.at[pl.ds(0, _CHUNK)],
                sem,
            ).wait()

        for h in range(gdepth):
            issue_gather(h, h)

        def body(g, carry):
            slot = lax.rem(g, nbuf)
            wait_one(gsem)
            pltpu.async_copy(
                rows_v.at[pl.ds(slot * _CHUNK, _CHUNK)],
                out_hbm.at[pl.ds(base + pl.multiple_of(g * _CHUNK, _CHUNK), _CHUNK)],
                ssem,
            )
            nxt = g + gdepth

            @pl.when(nxt < n_chunks)
            def _():
                @pl.when(nxt >= nbuf)
                def _():
                    wait_one(ssem)
                issue_gather(nxt, lax.rem(nxt, nbuf))

            return carry

        lax.fori_loop(0, n_chunks, body, 0)
        for _ in range(nbuf):
            wait_one(ssem)

    return lookup


def kernel(input_batch, table):
    bsz, seq = input_batch.shape
    _, d = table.shape
    idx = input_batch.reshape(-1).astype(jnp.int32)
    out = _make_lookup(bsz * seq, d)(table, idx)
    return out.reshape(bsz, seq, d)

# --- scband reference (transcript-rebuilt; emitter-appended) ---
"""Pipeline reference for scband-embedding-31301721653927 (READ-ONLY COPY).

The authoritative reference and input builder live on the scoring server;
editing this copy changes nothing except your own understanding.
"""

import jax, jax.numpy as jnp
import numpy as np

VOCAB = 100000
D_MODEL = 128
PAD_IDX = 0

def setup_inputs(seed: int = 0) -> dict:
    key = jax.random.key(seed)
    k1, k2 = jax.random.split(key)
    input_batch = jax.random.randint(k1, (4096, 200), 0, VOCAB, dtype=jnp.int64)
    table = jax.random.normal(k2, (VOCAB, D_MODEL), dtype=jnp.float32)
    # nn.Embedding with padding_idx zeros that row at init
    table = table.at[PAD_IDX].set(0.0)
    return {"input_batch": input_batch, "table": table}

def reference(input_batch, table):
    # Embedding lookup: gather rows of the table by index
    return jnp.take(table, input_batch, axis=0)

if __name__ == "__main__":
    import jax
    _d = setup_inputs()
    print(jax.jit(kernel)(*tuple(_d.values())))

</pallas_src>

<mosaic_0001>
#map = affine_map<(d0, d1) -> (0, 0)>
#map1 = affine_map<(d0, d1) -> (0)>
module attributes {stable_mosaic.version = 14 : i64} {
  func.func @lookup(%arg0: i32, %arg1: i32, %arg2: memref<100000x128xf32, #tpu.memory_space<hbm>>, %arg3: memref<819200xi32, #tpu.memory_space<hbm>>, %arg4: memref<819200x128xf32, #tpu.memory_space<hbm>>, %arg5: memref<25600xi32, #tpu.memory_space<vmem>>, %arg6: memref<768x128xf32, #tpu.memory_space<vmem>>, %arg7: memref<!tpu.dma_semaphore, #tpu.memory_space<semaphore_mem>>, %arg8: memref<!tpu.dma_semaphore, #tpu.memory_space<semaphore_mem>>) attributes {dimension_semantics = [#tpu.dimension_semantics<core_parallel>, #tpu.dimension_semantics<subcore_parallel>], iteration_bounds = array<i64: 2, 16>, scalar_prefetch = 0 : i64, scratch_operands = 4 : i64, tpu.core_type = #tpu.core_type<sc_vector_subcore>, window_params = [{transform_indices = #map}, {transform_indices = #map1}, {transform_indices = #map}]} {
    %mul3A = arith.constant 2 : i32
    %mul3A_0 = arith.muli %arg1, %mul3A : i32
    %add3A = arith.addi %mul3A_0, %arg0 : i32
    %mul3A_1 = arith.constant 25600 : i32
    %mul3A_2 = arith.muli %add3A, %mul3A_1 : i32
    "tpu.region"() ({
      %run_scoped3A = tpu.sem_alloc : memref<!tpu.dma_semaphore, #tpu.memory_space<semaphore_mem>>
      %dma_start3A_92 = tpu.memref_slice %arg3[%mul3A_2] : memref<819200xi32, #tpu.memory_space<hbm>> -> memref<25600xi32, #tpu.memory_space<hbm>>
      %dma_start3A_93 = tpu.memref_slice %arg3[%mul3A_2] : memref<819200xi32, #tpu.memory_space<hbm>> -> memref<25600xi32, #tpu.memory_space<hbm>>
      tpu.enqueue_dma source(%dma_start3A_93 : memref<25600xi32, #tpu.memory_space<hbm>>) target(%arg5 : memref<25600xi32, #tpu.memory_space<vmem>>) target_semaphore(%run_scoped3A : memref<!tpu.dma_semaphore, #tpu.memory_space<semaphore_mem>>)
      %dma_wait3A_94 = tpu.memref_slice %arg3[%mul3A_2] : memref<819200xi32, #tpu.memory_space<hbm>> -> memref<25600xi32, #tpu.memory_space<hbm>>
      %dma_wait3A_95 = tpu.memref_slice %arg3[%mul3A_2] : memref<819200xi32, #tpu.memory_space<hbm>> -> memref<25600xi32, #tpu.memory_space<hbm>>
      tpu.wait_dma2 semaphore(%run_scoped3A : memref<!tpu.dma_semaphore, #tpu.memory_space<semaphore_mem>>) src(%dma_wait3A_95 : memref<25600xi32, #tpu.memory_space<hbm>>) dst(%arg5 : memref<25600xi32, #tpu.memory_space<vmem>>)
      tpu.yield
    }) : () -> ()
    %multiple_of3A = arith.constant 0 : i32
    %multiple_of3A_3 = tpu.assume_multiple %multiple_of3A, 128 : i32
    %dma_start3A = arith.constant 0 : i32
    %dma_start3A_4 = arith.constant 0 : i32
    %dma_start3A_5 = tpu.memref_slice %arg6[%dma_start3A, %dma_start3A_4] : memref<768x128xf32, #tpu.memory_space<vmem>> -> memref<128x128xf32, #tpu.memory_space<vmem>>
    %dma_start3A_6 = tpu.memref_slice %arg5[%multiple_of3A_3] : memref<25600xi32, #tpu.memory_space<vmem>> -> memref<128xi32, #tpu.memory_space<vmem>>
    %dma_start3A_7 = arith.constant 0 : i32
    %dma_start3A_8 = arith.constant 0 : i32
    %dma_start3A_9 = tpu.memref_slice %arg2[%dma_start3A_7, %dma_start3A_8] : memref<100000x128xf32, #tpu.memory_space<hbm>> -> memref<100000x128xf32, #tpu.memory_space<hbm>>
    tpu.enqueue_indirect_dma source(%dma_start3A_9 : memref<100000x128xf32, #tpu.memory_space<hbm>>) target(%dma_start3A_5 : memref<128x128xf32, #tpu.memory_space<vmem>>) offsets(%dma_start3A_6 : memref<128xi32, #tpu.memory_space<vmem>>) semaphore(%arg7 : memref<!tpu.dma_semaphore, #tpu.memory_space<semaphore_mem>>)
    %multiple_of3A_10 = arith.constant 128 : i32
    %multiple_of3A_11 = tpu.assume_multiple %multiple_of3A_10, 128 : i32
    %dma_start3A_12 = arith.constant 128 : i32
    %dma_start3A_13 = arith.constant 0 : i32
    %dma_start3A_14 = tpu.memref_slice %arg6[%dma_start3A_12, %dma_start3A_13] : memref<768x128xf32, #tpu.memory_space<vmem>> -> memref<128x128xf32, #tpu.memory_space<vmem>>
    %dma_start3A_15 = tpu.memref_slice %arg5[%multiple_of3A_11] : memref<25600xi32, #tpu.memory_space<vmem>> -> memref<128xi32, #tpu.memory_space<vmem>>
    %dma_start3A_16 = arith.constant 0 : i32
    %dma_start3A_17 = arith.constant 0 : i32
    %dma_start3A_18 = tpu.memref_slice %arg2[%dma_start3A_16, %dma_start3A_17] : memref<100000x128xf32, #tpu.memory_space<hbm>> -> memref<100000x128xf32, #tpu.memory_space<hbm>>
    tpu.enqueue_indirect_dma source(%dma_start3A_18 : memref<100000x128xf32, #tpu.memory_space<hbm>>) target(%dma_start3A_14 : memref<128x128xf32, #tpu.memory_space<vmem>>) offsets(%dma_start3A_15 : memref<128xi32, #tpu.memory_space<vmem>>) semaphore(%arg7 : memref<!tpu.dma_semaphore, #tpu.memory_space<semaphore_mem>>)
    %multiple_of3A_19 = arith.constant 256 : i32
    %multiple_of3A_20 = tpu.assume_multiple %multiple_of3A_19, 128 : i32
    %dma_start3A_21 = arith.constant 256 : i32
    %dma_start3A_22 = arith.constant 0 : i32
    %dma_start3A_23 = tpu.memref_slice %arg6[%dma_start3A_21, %dma_start3A_22] : memref<768x128xf32, #tpu.memory_space<vmem>> -> memref<128x128xf32, #tpu.memory_space<vmem>>
    %dma_start3A_24 = tpu.memref_slice %arg5[%multiple_of3A_20] : memref<25600xi32, #tpu.memory_space<vmem>> -> memref<128xi32, #tpu.memory_space<vmem>>
    %dma_start3A_25 = arith.constant 0 : i32
    %dma_start3A_26 = arith.constant 0 : i32
    %dma_start3A_27 = tpu.memref_slice %arg2[%dma_start3A_25, %dma_start3A_26] : memref<100000x128xf32, #tpu.memory_space<hbm>> -> memref<100000x128xf32, #tpu.memory_space<hbm>>
    tpu.enqueue_indirect_dma source(%dma_start3A_27 : memref<100000x128xf32, #tpu.memory_space<hbm>>) target(%dma_start3A_23 : memref<128x128xf32, #tpu.memory_space<vmem>>) offsets(%dma_start3A_24 : memref<128xi32, #tpu.memory_space<vmem>>) semaphore(%arg7 : memref<!tpu.dma_semaphore, #tpu.memory_space<semaphore_mem>>)
    %scan3A = arith.constant 0 : i32
    %scan3A_28 = arith.constant 0 : i32
    %scan3A_29 = arith.constant 200 : i32
    %scan3A_30 = arith.addi %scan3A_28, %scan3A_29 : i32
    %scan3A_31 = arith.constant 1 : i32
    scf.for %scan3A_92 = %scan3A_28 to %scan3A_30 step %scan3A_31  : i32 {
      %rem3A = arith.constant 6 : i32
      %rem3A_93 = arith.remsi %scan3A_92, %rem3A : i32
      %dma_wait3A_94 = arith.constant 0 : i32
      %dma_wait3A_95 = arith.constant 0 : i32
      %dma_wait3A_96 = tpu.memref_slice %arg6[%dma_wait3A_94, %dma_wait3A_95] : memref<768x128xf32, #tpu.memory_space<vmem>> -> memref<128x128xf32, #tpu.memory_space<vmem>>
      %dma_wait3A_97 = arith.constant 0 : i32
      %dma_wait3A_98 = tpu.memref_slice %arg4[%mul3A_2, %dma_wait3A_97] : memref<819200x128xf32, #tpu.memory_space<hbm>> -> memref<128x128xf32, #tpu.memory_space<hbm>>
      %dma_wait3A_99 = arith.constant 0 : i32
      %dma_wait3A_100 = arith.constant 0 : i32
      %dma_wait3A_101 = tpu.memref_slice %arg6[%dma_wait3A_99, %dma_wait3A_100] : memref<768x128xf32, #tpu.memory_space<vmem>> -> memref<128x128xf32, #tpu.memory_space<vmem>>
      %dma_wait3A_102 = arith.constant 0 : i32
      %dma_wait3A_103 = tpu.memref_slice %arg4[%mul3A_2, %dma_wait3A_102] : memref<819200x128xf32, #tpu.memory_space<hbm>> -> memref<128x128xf32, #tpu.memory_space<hbm>>
      tpu.wait_dma2 semaphore(%arg7 : memref<!tpu.dma_semaphore, #tpu.memory_space<semaphore_mem>>) src(%dma_wait3A_103 : memref<128x128xf32, #tpu.memory_space<hbm>>) dst(%dma_wait3A_101 : memref<128x128xf32, #tpu.memory_space<vmem>>)
      %mul3A_104 = arith.constant 128 : i32
      %mul3A_105 = arith.muli %rem3A_93, %mul3A_104 : i32
      %mul3A_106 = arith.constant 128 : i32
      %mul3A_107 = arith.muli %scan3A_92, %mul3A_106 : i32
      %multiple_of3A_108 = tpu.assume_multiple %mul3A_107, 128 : i32
      %add3A_109 = arith.addi %mul3A_2, %multiple_of3A_108 : i32
      %dma_start3A_110 = arith.constant 0 : i32
      %dma_start3A_111 = tpu.memref_slice %arg6[%mul3A_105, %dma_start3A_110] : memref<768x128xf32, #tpu.memory_space<vmem>> -> memref<128x128xf32, #tpu.memory_space<vmem>>
      %dma_start3A_112 = arith.constant 0 : i32
      %dma_start3A_113 = tpu.memref_slice %arg4[%add3A_109, %dma_start3A_112] : memref<819200x128xf32, #tpu.memory_space<hbm>> -> memref<128x128xf32, #tpu.memory_space<hbm>>
      %dma_start3A_114 = arith.constant 0 : i32
      %dma_start3A_115 = tpu.memref_slice %arg4[%add3A_109, %dma_start3A_114] : memref<819200x128xf32, #tpu.memory_space<hbm>> -> memref<128x128xf32, #tpu.memory_space<hbm>>
      %dma_start3A_116 = arith.constant 0 : i32
      %dma_start3A_117 = tpu.memref_slice %arg6[%mul3A_105, %dma_start3A_116] : memref<768x128xf32, #tpu.memory_space<vmem>> -> memref<128x128xf32, #tpu.memory_space<vmem>>
      tpu.enqueue_dma source(%dma_start3A_117 : memref<128x128xf32, #tpu.memory_space<vmem>>) target(%dma_start3A_115 : memref<128x128xf32, #tpu.memory_space<hbm>>) target_semaphore(%arg8 : memref<!tpu.dma_semaphore, #tpu.memory_space<semaphore_mem>>)
      %add3A_118 = arith.constant 3 : i32
      %add3A_119 = arith.addi %scan3A_92, %add3A_118 : i32
      %lt3A = arith.constant 200 : i32
      %lt3A_120 = arith.cmpi slt, %add3A_119, %lt3A : i32
      %convert_element_type3A = arith.extui %lt3A_120 : i1 to i32
      %cond3A = arith.constant 0 : i32
      %cond3A_121 = arith.cmpi ne, %convert_element_type3A, %cond3A : i32
      scf.if %cond3A_121 {
        %ge3A = arith.constant 6 : i32
        %ge3A_122 = arith.cmpi sge, %add3A_119, %ge3A : i32
        %convert_element_type3A_123 = arith.extui %ge3A_122 : i1 to i32
        %cond3A_124 = arith.constant 0 : i32
        %cond3A_125 = arith.cmpi ne, %convert_element_type3A_123, %cond3A_124 : i32
        scf.if %cond3A_125 {
          %dma_wait3A_139 = arith.constant 0 : i32
          %dma_wait3A_140 = arith.constant 0 : i32
          %dma_wait3A_141 = tpu.memref_slice %arg6[%dma_wait3A_139, %dma_wait3A_140] : memref<768x128xf32, #tpu.memory_space<vmem>> -> memref<128x128xf32, #tpu.memory_space<vmem>>
          %dma_wait3A_142 = arith.constant 0 : i32
          %dma_wait3A_143 = tpu.memref_slice %arg4[%mul3A_2, %dma_wait3A_142] : memref<819200x128xf32, #tpu.memory_space<hbm>> -> memref<128x128xf32, #tpu.memory_space<hbm>>
          %dma_wait3A_144 = arith.constant 0 : i32
          %dma_wait3A_145 = arith.constant 0 : i32
          %dma_wait3A_146 = tpu.memref_slice %arg6[%dma_wait3A_144, %dma_wait3A_145] : memref<768x128xf32, #tpu.memory_space<vmem>> -> memref<128x128xf32, #tpu.memory_space<vmem>>
          %dma_wait3A_147 = arith.constant 0 : i32
          %dma_wait3A_148 = tpu.memref_slice %arg4[%mul3A_2, %dma_wait3A_147] : memref<819200x128xf32, #tpu.memory_space<hbm>> -> memref<128x128xf32, #tpu.memory_space<hbm>>
          tpu.wait_dma2 semaphore(%arg8 : memref<!tpu.dma_semaphore, #tpu.memory_space<semaphore_mem>>) src(%dma_wait3A_148 : memref<128x128xf32, #tpu.memory_space<hbm>>) dst(%dma_wait3A_146 : memref<128x128xf32, #tpu.memory_space<vmem>>)
        } else {
        }
        %rem3A_126 = arith.constant 6 : i32
        %rem3A_127 = arith.remsi %add3A_119, %rem3A_126 : i32
        %mul3A_128 = arith.constant 128 : i32
        %mul3A_129 = arith.muli %add3A_119, %mul3A_128 : i32
        %multiple_of3A_130 = tpu.assume_multiple %mul3A_129, 128 : i32
        %mul3A_131 = arith.constant 128 : i32
        %mul3A_132 = arith.muli %rem3A_127, %mul3A_131 : i32
        %dma_start3A_133 = arith.constant 0 : i32
        %dma_start3A_134 = tpu.memref_slice %arg6[%mul3A_132, %dma_start3A_133] : memref<768x128xf32, #tpu.memory_space<vmem>> -> memref<128x128xf32, #tpu.memory_space<vmem>>
        %dma_start3A_135 = tpu.memref_slice %arg5[%multiple_of3A_130] : memref<25600xi32, #tpu.memory_space<vmem>> -> memref<128xi32, #tpu.memory_space<vmem>>
        %dma_start3A_136 = arith.constant 0 : i32
        %dma_start3A_137 = arith.constant 0 : i32
        %dma_start3A_138 = tpu.memref_slice %arg2[%dma_start3A_136, %dma_start3A_137] : memref<100000x128xf32, #tpu.memory_space<hbm>> -> memref<100000x128xf32, #tpu.memory_space<hbm>>
        tpu.enqueue_indirect_dma source(%dma_start3A_138 : memref<100000x128xf32, #tpu.memory_space<hbm>>) target(%dma_start3A_134 : memref<128x128xf32, #tpu.memory_space<vmem>>) offsets(%dma_start3A_135 : memref<128xi32, #tpu.memory_space<vmem>>) semaphore(%arg7 : memref<!tpu.dma_semaphore, #tpu.memory_space<semaphore_mem>>)
      } else {
      }
    }
    %scan3A_32 = arith.constant 200 : i32
    %dma_wait3A = arith.constant 0 : i32
    %dma_wait3A_33 = arith.constant 0 : i32
    %dma_wait3A_34 = tpu.memref_slice %arg6[%dma_wait3A, %dma_wait3A_33] : memref<768x128xf32, #tpu.memory_space<vmem>> -> memref<128x128xf32, #tpu.memory_space<vmem>>
    %dma_wait3A_35 = arith.constant 0 : i32
    %dma_wait3A_36 = tpu.memref_slice %arg4[%mul3A_2, %dma_wait3A_35] : memref<819200x128xf32, #tpu.memory_space<hbm>> -> memref<128x128xf32, #tpu.memory_space<hbm>>
    %dma_wait3A_37 = arith.constant 0 : i32
    %dma_wait3A_38 = arith.constant 0 : i32
    %dma_wait3A_39 = tpu.memref_slice %arg6[%dma_wait3A_37, %dma_wait3A_38] : memref<768x128xf32, #tpu.memory_space<vmem>> -> memref<128x128xf32, #tpu.memory_space<vmem>>
    %dma_wait3A_40 = arith.constant 0 : i32
    %dma_wait3A_41 = tpu.memref_slice %arg4[%mul3A_2, %dma_wait3A_40] : memref<819200x128xf32, #tpu.memory_space<hbm>> -> memref<128x128xf32, #tpu.memory_space<hbm>>
    tpu.wait_dma2 semaphore(%arg8 : memref<!tpu.dma_semaphore, #tpu.memory_space<semaphore_mem>>) src(%dma_wait3A_41 : memref<128x128xf32, #tpu.memory_space<hbm>>) dst(%dma_wait3A_39 : memref<128x128xf32, #tpu.memory_space<vmem>>)
    %dma_wait3A_42 = arith.constant 0 : i32
    %dma_wait3A_43 = arith.constant 0 : i32
    %dma_wait3A_44 = tpu.memref_slice %arg6[%dma_wait3A_42, %dma_wait3A_43] : memref<768x128xf32, #tpu.memory_space<vmem>> -> memref<128x128xf32, #tpu.memory_space<vmem>>
    %dma_wait3A_45 = arith.constant 0 : i32
    %dma_wait3A_46 = tpu.memref_slice %arg4[%mul3A_2, %dma_wait3A_45] : memref<819200x128xf32, #tpu.memory_space<hbm>> -> memref<128x128xf32, #tpu.memory_space<hbm>>
    %dma_wait3A_47 = arith.constant 0 : i32
    %dma_wait3A_48 = arith.constant 0 : i32
    %dma_wait3A_49 = tpu.memref_slice %arg6[%dma_wait3A_47, %dma_wait3A_48] : memref<768x128xf32, #tpu.memory_space<vmem>> -> memref<128x128xf32, #tpu.memory_space<vmem>>
    %dma_wait3A_50 = arith.constant 0 : i32
    %dma_wait3A_51 = tpu.memref_slice %arg4[%mul3A_2, %dma_wait3A_50] : memref<819200x128xf32, #tpu.memory_space<hbm>> -> memref<128x128xf32, #tpu.memory_space<hbm>>
    tpu.wait_dma2 semaphore(%arg8 : memref<!tpu.dma_semaphore, #tpu.memory_space<semaphore_mem>>) src(%dma_wait3A_51 : memref<128x128xf32, #tpu.memory_space<hbm>>) dst(%dma_wait3A_49 : memref<128x128xf32, #tpu.memory_space<vmem>>)
    %dma_wait3A_52 = arith.constant 0 : i32
    %dma_wait3A_53 = arith.constant 0 : i32
    %dma_wait3A_54 = tpu.memref_slice %arg6[%dma_wait3A_52, %dma_wait3A_53] : memref<768x128xf32, #tpu.memory_space<vmem>> -> memref<128x128xf32, #tpu.memory_space<vmem>>
    %dma_wait3A_55 = arith.constant 0 : i32
    %dma_wait3A_56 = tpu.memref_slice %arg4[%mul3A_2, %dma_wait3A_55] : memref<819200x128xf32, #tpu.memory_space<hbm>> -> memref<128x128xf32, #tpu.memory_space<hbm>>
    %dma_wait3A_57 = arith.constant 0 : i32
    %dma_wait3A_58 = arith.constant 0 : i32
    %dma_wait3A_59 = tpu.memref_slice %arg6[%dma_wait3A_57, %dma_wait3A_58] : memref<768x128xf32, #tpu.memory_space<vmem>> -> memref<128x128xf32, #tpu.memory_space<vmem>>
    %dma_wait3A_60 = arith.constant 0 : i32
    %dma_wait3A_61 = tpu.memref_slice %arg4[%mul3A_2, %dma_wait3A_60] : memref<819200x128xf32, #tpu.memory_space<hbm>> -> memref<128x128xf32, #tpu.memory_space<hbm>>
    tpu.wait_dma2 semaphore(%arg8 : memref<!tpu.dma_semaphore, #tpu.memory_space<semaphore_mem>>) src(%dma_wait3A_61 : memref<128x128xf32, #tpu.memory_space<hbm>>) dst(%dma_wait3A_59 : memref<128x128xf32, #tpu.memory_space<vmem>>)
    %dma_wait3A_62 = arith.constant 0 : i32
    %dma_wait3A_63 = arith.constant 0 : i32
    %dma_wait3A_64 = tpu.memref_slice %arg6[%dma_wait3A_62, %dma_wait3A_63] : memref<768x128xf32, #tpu.memory_space<vmem>> -> memref<128x128xf32, #tpu.memory_space<vmem>>
    %dma_wait3A_65 = arith.constant 0 : i32
    %dma_wait3A_66 = tpu.memref_slice %arg4[%mul3A_2, %dma_wait3A_65] : memref<819200x128xf32, #tpu.memory_space<hbm>> -> memref<128x128xf32, #tpu.memory_space<hbm>>
    %dma_wait3A_67 = arith.constant 0 : i32
    %dma_wait3A_68 = arith.constant 0 : i32
    %dma_wait3A_69 = tpu.memref_slice %arg6[%dma_wait3A_67, %dma_wait3A_68] : memref<768x128xf32, #tpu.memory_space<vmem>> -> memref<128x128xf32, #tpu.memory_space<vmem>>
    %dma_wait3A_70 = arith.constant 0 : i32
    %dma_wait3A_71 = tpu.memref_slice %arg4[%mul3A_2, %dma_wait3A_70] : memref<819200x128xf32, #tpu.memory_space<hbm>> -> memref<128x128xf32, #tpu.memory_space<hbm>>
    tpu.wait_dma2 semaphore(%arg8 : memref<!tpu.dma_semaphore, #tpu.memory_space<semaphore_mem>>) src(%dma_wait3A_71 : memref<128x128xf32, #tpu.memory_space<hbm>>) dst(%dma_wait3A_69 : memref<128x128xf32, #tpu.memory_space<vmem>>)
    %dma_wait3A_72 = arith.constant 0 : i32
    %dma_wait3A_73 = arith.constant 0 : i32
    %dma_wait3A_74 = tpu.memref_slice %arg6[%dma_wait3A_72, %dma_wait3A_73] : memref<768x128xf32, #tpu.memory_space<vmem>> -> memref<128x128xf32, #tpu.memory_space<vmem>>
    %dma_wait3A_75 = arith.constant 0 : i32
    %dma_wait3A_76 = tpu.memref_slice %arg4[%mul3A_2, %dma_wait3A_75] : memref<819200x128xf32, #tpu.memory_space<hbm>> -> memref<128x128xf32, #tpu.memory_space<hbm>>
    %dma_wait3A_77 = arith.constant 0 : i32
    %dma_wait3A_78 = arith.constant 0 : i32
    %dma_wait3A_79 = tpu.memref_slice %arg6[%dma_wait3A_77, %dma_wait3A_78] : memref<768x128xf32, #tpu.memory_space<vmem>> -> memref<128x128xf32, #tpu.memory_space<vmem>>
    %dma_wait3A_80 = arith.constant 0 : i32
    %dma_wait3A_81 = tpu.memref_slice %arg4[%mul3A_2, %dma_wait3A_80] : memref<819200x128xf32, #tpu.memory_space<hbm>> -> memref<128x128xf32, #tpu.memory_space<hbm>>
    tpu.wait_dma2 semaphore(%arg8 : memref<!tpu.dma_semaphore, #tpu.memory_space<semaphore_mem>>) src(%dma_wait3A_81 : memref<128x128xf32, #tpu.memory_space<hbm>>) dst(%dma_wait3A_79 : memref<128x128xf32, #tpu.memory_space<vmem>>)
    %dma_wait3A_82 = arith.constant 0 : i32
    %dma_wait3A_83 = arith.constant 0 : i32
    %dma_wait3A_84 = tpu.memref_slice %arg6[%dma_wait3A_82, %dma_wait3A_83] : memref<768x128xf32, #tpu.memory_space<vmem>> -> memref<128x128xf32, #tpu.memory_space<vmem>>
    %dma_wait3A_85 = arith.constant 0 : i32
    %dma_wait3A_86 = tpu.memref_slice %arg4[%mul3A_2, %dma_wait3A_85] : memref<819200x128xf32, #tpu.memory_space<hbm>> -> memref<128x128xf32, #tpu.memory_space<hbm>>
    %dma_wait3A_87 = arith.constant 0 : i32
    %dma_wait3A_88 = arith.constant 0 : i32
    %dma_wait3A_89 = tpu.memref_slice %arg6[%dma_wait3A_87, %dma_wait3A_88] : memref<768x128xf32, #tpu.memory_space<vmem>> -> memref<128x128xf32, #tpu.memory_space<vmem>>
    %dma_wait3A_90 = arith.constant 0 : i32
    %dma_wait3A_91 = tpu.memref_slice %arg4[%mul3A_2, %dma_wait3A_90] : memref<819200x128xf32, #tpu.memory_space<hbm>> -> memref<128x128xf32, #tpu.memory_space<hbm>>
    tpu.wait_dma2 semaphore(%arg8 : memref<!tpu.dma_semaphore, #tpu.memory_space<semaphore_mem>>) src(%dma_wait3A_91 : memref<128x128xf32, #tpu.memory_space<hbm>>) dst(%dma_wait3A_89 : memref<128x128xf32, #tpu.memory_space<vmem>>)
    return
  }
}

</mosaic_0001>

<sc_bundles>
// kernel: kernel.3.cloned.1.call-start
scs
__scs_entry_jumppad:
0x0: {  	(pc) =	sbr.rel $0x88, $3  }
0x1: {  	(tag) =	ssettag $0x0;
	lr =	simm.s32 $0x1  }
0x2: {  	[smem:$0x3F9F] =	sst lr;
	_ =	strace $0xD0000000  }
0x3: {  	_ = 	snop  }
0x4: {  	_ = 	snop  }
0x5: {  	_ = 	snop  }
0x6: {  	_ = 	snop  }
0x7: {  	_ = 	snop  }
__scs_overlays_trampoline_lowered:
0x8: {  	[smem:$0x3FAE] =	sst s0  }
0x9: {  	[smem:$0x3FAF] =	sst s1  }
0xa: {  	[smem:$0x3FB0] =	sst s2  }
0xb: {  	[smem:$0x3FB1] =	sst s3  }
0xc: {  	[smem:$0x3FB2] =	sst s4  }
0xd: {  	[smem:$0x3FB3] =	sst s5  }
0xe: {  	[smem:$0x3FB4] =	sst s6  }
0xf: {  	[smem:$0x3FB5] =	sst s7  }
0x10: {  	[smem:$0x3FB6] =	sst s8  }
0x11: {  	[smem:$0x3FB7] =	sst s9;
	s0 =	simm.s32 @!p0 $0x0  }
0x12: {  	s1 =	sld [smem:$0x3F9D];
	s0 =	simm.s32 @p0 $0x1  }
0x13: {  	[smem:$0x3FB8] =	sst s0;
	s0 =	simm.s32 @!p1 $0x0  }
0x14: {  	s2 =	sld [smem:$0x3F9C];
	s0 =	simm.s32 @p1 $0x1  }
0x15: {  	[smem:$0x3FB9] =	sst s0;
	s0 =	simm.s32 @!p2 $0x0  }
0x16: {  	s3 =	sld [smem:$0x3FDB];
	s0 =	simm.s32 @p2 $0x1  }
0x17: {  	s4 =	simm.s32 $0x1BF5;
	[smem:$0x3FBB] =	sst s0  }
0x18: {  	s0 =	sld [smem:$0x3F9E];
	_ =	swait.ge [sflag:s4], $0x0  }
0x19: {  	s7 =	sld [smem:$0x3F9F]  }
0x1a: {  	s8 =	sadd.s32 $0xFFFFE003, lr  }
0x1b: {  	s9 =	sadd.s32 $0xFFFFFEF7, lr;
	s5 =	simm.s32 $0xFFFFFFFF;
	p2 =	slt.u32 s8, $0xFFFFF086  }
0x1c: {  	p1 =	slt.u32 s9, $0xF7A;
	s5 =	simm.s32 @!p2 $0x0  }
0x1d: {  	s5 =	simm.s32 @p1 $0x1;
	p0 =	seq.s32 s7, s2  }
0x1e: {  	s7 =	smul.u32 @!p0 $0xF7A, s2;
	p2 =	seq.s32 @!p0 s5, $0x0  }
0x1f: {  	s9 =	smul.u32 $0xF7A, s1;
	s8 =	simm.s32 @!p0 $0x1BF5;
	p2 =	por !p2, p0  }
0x20: {  	[sflag:s8] =	ssyncset.s32 @!p0 $0xFFFFF086;
	s6 =	sadd.s32 @!p0 s3, s7;
	s7 =	simm.s32 @!p0 $0x108  }
0x21: {  	s3 =	sadd.s32 s3, s9;
	s6 =	sadd.s32 @!p0 $0x88, s6;
	s7 =	simm.s32 @p2 $0x1082  }
0x22: {  	[simem:s7], [sflag:s8] =	dma.local @!p0 [hbm:s6], $0xF7A  }
0x23: {  	s9 =	sor.u32 $0xD0000000, s2;
	s6 =	simm.s32 $0x108;
	_ =	swait.ge @!p0 [sflag:s8], $0x0  }
0x24: {  	s3 =	sadd.s32 $0x88, s3;
	s6 =	simm.s32 @!p1 $0x1082;
	[sflag:s4] =	ssyncset.s32 $0xFFFFF086  }
0x25: {  	[simem:s6], [sflag:s4] =	dma.local [hbm:s3], $0xF7A  }
0x26: {  	[smem:$0x3F9F] =	sst s1;
	(tag) =	ssettag s2;
	_ =	strace s9  }
0x27: {  	s1 =	sld [smem:$0x3FAF]  }
0x28: {  	s2 =	sld [smem:$0x3FB0]  }
0x29: {  	s4 =	sld [smem:$0x3FB2]  }
0x2a: {  	p0 =	seq.s32 s5, $0x0;
	s5 =	sld [smem:$0x3FB3]  }
0x2b: {  	s6 =	sld [smem:$0x3FB4]  }
0x2c: {  	s7 =	sld [smem:$0x3FB5]  }
0x2d: {  	s3 =	simm.s32 $0x108;
	s8 =	sld [smem:$0x3FB6]  }
0x2e: {  	s3 =	simm.s32 @!p0 $0x1082;
	s9 =	sld [smem:$0x3FB7]  }
0x2f: {  	lr =	sadd.s32 s0, s3;
	s0 =	sld [smem:$0x3FAE]  }
0x30: {  	s3 =	sld [smem:$0x3FB1]  }
0x31: {  	[smem:$0x3FBA] =	sst s10  }
0x32: {  	s10 =	sld [smem:$0x3FB8];
	_ =	sdelay $0x3  }
0x33: {  	p0 =	seq.s32 s10, $0x1;
	s10 =	sld [smem:$0x3FBA];
	_ =	sdelay $0x3  }
0x34: {  	[smem:$0x3FBA] =	sst s10  }
0x35: {  	s10 =	sld [smem:$0x3FB9];
	_ =	sdelay $0x3  }
0x36: {  	p1 =	seq.s32 s10, $0x1;
	s10 =	sld [smem:$0x3FBA];
	_ =	sdelay $0x3  }
0x37: {  	[smem:$0x3FBA] =	sst s10  }
0x38: {  	s10 =	sld [smem:$0x3FBB]  }
0x39: {  	_ = 	snop;
	(pc) =	sbr.ind lr, $3  }
0x3a: {  	_ = 	snop  }
0x3b: {  	_ = 	snop  }
0x3c: {  	p2 =	seq.s32 s10, $0x1;
	s10 =	sld [smem:$0x3FBA]  }
0x3d: {  	_ =	shalt  }
0x3e: {  	_ =	shalt  }
0x3f: {  	_ =	shalt  }
0x40: {  	_ =	shalt  }
0x41: {  	_ =	shalt  }
0x42: {  	_ =	shalt  }
0x43: {  	_ =	shalt  }
0x44: {  	_ =	shalt  }
0x45: {  	_ =	shalt  }
0x46: {  	_ =	shalt  }
0x47: {  	_ =	shalt  }
0x48: {  	_ =	shalt  }
0x49: {  	_ =	shalt  }
0x4a: {  	_ =	shalt  }
0x4b: {  	_ =	shalt  }
0x4c: {  	_ =	shalt  }
0x4d: {  	_ =	shalt  }
0x4e: {  	_ =	shalt  }
0x4f: {  	_ =	shalt  }
0x50: {  	_ =	shalt  }
0x51: {  	_ =	shalt  }
0x52: {  	_ =	shalt  }
0x53: {  	_ =	shalt  }
0x54: {  	_ =	shalt  }
0x55: {  	_ =	shalt  }
0x56: {  	_ =	shalt  }
0x57: {  	_ =	shalt  }
0x58: {  	_ =	shalt  }
0x59: {  	_ =	shalt  }
0x5a: {  	_ =	shalt  }
0x5b: {  	_ =	shalt  }
0x5c: {  	_ =	shalt  }
0x5d: {  	_ =	shalt  }
0x5e: {  	_ =	shalt  }
0x5f: {  	_ =	shalt  }
0x60: {  	_ =	shalt  }
0x61: {  	_ =	shalt  }
0x62: {  	_ =	shalt  }
0x63: {  	_ =	shalt  }
0x64: {  	_ =	shalt  }
0x65: {  	_ =	shalt  }
0x66: {  	_ =	shalt  }
0x67: {  	_ =	shalt  }
0x68: {  	_ =	shalt  }
0x69: {  	_ =	shalt  }
0x6a: {  	_ =	shalt  }
0x6b: {  	_ =	shalt  }
0x6c: {  	_ =	shalt  }
0x6d: {  	_ =	shalt  }
0x6e: {  	_ =	shalt  }
0x6f: {  	_ =	shalt  }
0x70: {  	_ =	shalt  }
0x71: {  	_ =	shalt  }
0x72: {  	_ =	shalt  }
0x73: {  	_ =	shalt  }
0x74: {  	_ =	shalt  }
0x75: {  	_ =	shalt  }
0x76: {  	_ =	shalt  }
0x77: {  	_ =	shalt  }
0x78: {  	_ =	shalt  }
0x79: {  	_ =	shalt  }
0x7a: {  	_ =	shalt  }
0x7b: {  	_ =	shalt  }
0x7c: {  	_ =	shalt  }
0x7d: {  	_ =	shalt  }
0x7e: {  	_ =	shalt  }
0x7f: {  	_ =	shalt  }
0x80: {  	_ =	shalt  }
0x81: {  	_ =	shalt  }
0x82: {  	_ =	shalt  }
0x83: {  	_ =	shalt  }
0x84: {  	_ =	shalt  }
0x85: {  	_ =	shalt  }
0x86: {  	_ =	shalt  }
0x87: {  	_ =	shalt  }
.Lfunc_end0:
.L_simem_size_0:
called_computation_lowered:
.L_overlay_start_0:
0x88: {  	s2 =	sld [smem:$0x3FD9]  }
0x89: {  	s3 =	sld [smem:$0x3FFE];
	_ =	sdelay $0x1  }
0x8a: {  	s1 =	srdreg.scid  }
0x8b: {  	s0 =	sand.u32 $0x1, s1  }
0x8c: {  	s17 =	sshll.u32 s0, $0xA;
	s2 =	sadd.s32 s3, s2  }
0x8d: {  	s2 =	sadd.s32 s2, s17  }
0x8e: {  	[smem:$0x3FC6] =	sst s2  }
0x8f: {  	_ = 	snop  }
0x90: {  	s2 =	sld [smem:$0x3FC8]  }
0x91: {  	s18 =	sld [smem:$0x3FD0];
	(tm) =	ssettm $0x1  }
0x92: {  	s4 =	sld [smem:$0x3FFB];
	_ =	sdelay $0x3  }
0x93: {  	_ =	strace s4  }
0x94: {  	s4 =	sld [smem:$0x3FFC];
	_ =	sdelay $0x3  }
0x95: {  	_ =	strace s4  }
0x96: {  	s4 =	sld [smem:$0x3FFD];
	_ =	sdelay $0x3  }
0x97: {  	_ =	strace s4  }
0x98: {  	_ =	strace $0x8FFFFFFF  }
0x99: {  	s19 =	sld [smem:$0x3FDB];
	_ =	sdelay $0x1  }
0x9a: {  	s5 =	simm.s32 $_scs_section_size  }
0x9b: {  	s6 =	simm.s32 $_size__tile_overlayer_lowered;
	s7 =	simm.s32 $_tile_overlayer_lowered  }
0x9c: {  	s22 =	simm.s32 $0x1BFF;
	s21 =	sshll.u32 s7, $0x1;
	s4 =	sadd.s32 s5, s19  }
0x9d: {  	s8 =	simm.s32 $0x0;
	s20 =	sshll.u32 s6, $0x1;
	s6 =	sadd.s32 s21, s4  }
0x9e: {  	[timem:s8], [sflag:s22] =	dma.local [hbm:s6], s20  }
0x9f: {  	_ =	swait.ge [sflag:s22], s20  }
0xa0: {  	s5 =	ssub.s32 $0x0, s20;
	[sflag:s22] =	ssyncset.done $0x0  }
0xa1: {  	[sflag:s22] =	ssyncadd.s32 s5;
	_ =	sdelay $0x1  }
0xa2: {  	s23 =	simm.s32 $0x1B8B  }
0xa3: {  	_ =	swait.ge [sflag:s23], $0x1  }
0xa4: {  	[sflag:s23] =	ssyncset.done $0x0  }
0xa5: {  	s25 =	simm.s32 $0x1B8E;
	s24 =	sld [smem:$0x3FFE];
	[sflag:s23] =	ssyncadd.s32 $0xFFFFFFFF  }
0xa6: {  	s26 =	simm.s32 $execute0_lowered;
	[smem:$0x3FD2] =	sst s25  }
0xa7: {  	s6 =	sshll.u32 s26, $0x1;
	_ =	strace $0x80000046;
	[dreg:$0x1] =	wrdreg $0xFFFFFFFF  }
0xa8: {  	s28 =	simm.s32 $_size_execute0_lowered;
	s4 =	sadd.s32 s4, s6;
	[dreg:$0x0] =	wrdreg $0x0  }
0xa9: {  	s6 =	sshll.u32 s28, $0x1;
	[dreg:$0x2] =	wrdreg s4  }
0xaa: {  	[dreg:$0x3] =	wrdreg s6  }
0xab: {  	[dreg:$0x4] =	wrdreg $0xC0  }
0xac: {  	_ =	task [dreg:s8], $0x5FFFF  }
0xad: {  	[dreg:$0x1] =	wrdreg $0xFFFFFFFF  }
0xae: {  	[dreg:$0x0] =	wrdreg $0x60  }
0xaf: {  	[dreg:$0x2] =	wrdreg s2  }
0xb0: {  	[dreg:$0x3] =	wrdreg s24  }
0xb1: {  	[dreg:$0x4] =	wrdreg s18  }
0xb2: {  	[dreg:$0x5] =	wrdreg $0x9  }
0xb3: {  	_ =	task.clear_ibuf [dreg:s8], $0x6FFFF;
	_ =	strace $0x90000046  }
0xb4: {  	s29 =	simm.s32 $0x9;
	_ =	strace $0x80000048  }
0xb5: {  	_ =	swait.ge [sflag:s29], $0x1  }
0xb6: {  	[sflag:s29] =	ssyncadd.s32 $0xFFFFFFFF  }
0xb7: {  	_ =	strace $0x90000048  }
0xb8: {  	_ =	sfence  }
0xb9: {  	s30 =	sld [smem:$0x0];
	_ =	sdelay $0x2  }
0xba: {  	s31 =	sshll.u32 s1, $0xD;
	s1 =	sshrl.u32 s1, $0x2  }
0xbb: {  	s3 =	sand.u32 $0x4000, s31;
	s1 =	sadd.s32 s1, s30  }
0xbc: {  	s0 =	sor.u32 s3, s0;
	s1 =	sshll.u32 s1, $0x11  }
0xbd: {  	s0 =	sor.u32 s1, s0  }
0xbe: {  	s0 =	sadd.s32 $0x8F2B, s0  }
0xbf: {  	[sflag:s0] =	ssyncadd.remote.s32 $0x1  }
0xc0: {  	_ =	sfence.sel $0xFFFF  }
0xc1: {  	[dreg:$0x0] =	wrdreg $0xFFFFFFFF;
	(pc) =	sbr.abs _section_cstart, $3  }
0xc2: {  	[dreg:$0x1] =	wrdreg $0xFFFFFFFF  }
0xc3: {  	_ =	task.clear_ibuf [dreg:s8], $0x2FFFF;
	_ =	strace $0x9FFFFFFF  }
0xc4: {  	(tm) =	ssettm $0x7FFFFFFF  }
0xc5: {  	_ =	shalt  }
tec
execute0_lowered:
.L_overlay_start_1:
0x0: {  	(tag) =	ssettag $0x1  }
0x1: {  	s1 =	rddreg [dreg:$0x0]  }
0x2: {  	s4 =	rddreg [dreg:$0x1]  }
0x3: {  	s6 =	rddreg [dreg:$0x2]  }
0x4: {  	s0 =	rddreg [dreg:$0x3]  }
0x5: {  	s3 =	srdreg.scid;
	s2 =	stileid.u32  }
0x6: {  	s11 =	simm.s32 $0x100;
	s12 =	simm.s32 $0xE400;
	s13 =	simm.s32 $0x1  }
0x7: {  	s14 =	simm.s32 $0x2;
	s15 =	simm.s32 $0x0;
	s5 =	sand.u32 $0x1, s3  }
0x8: {  	s7 =	sshll.u32 s2, $0x1;
	s8 =	smul.u32 $0x640000, s2;
	s3 =	simm.s32 $0x0  }
0x9: {  	s7 =	sor.u32 s5, s7;
	s9 =	smul.u32 $0x320000, s5;
	s5 =	ssub.s32 $0x2, s5  }
0xa: {  	[smem:$0x7FF] =	sst s3;
	s7 =	smul.u32 $0xC80, s7;
	s10 =	sshrl.u32 s5, $0x1  }
0xb: {  	_ =	strace $0x80000047;
	s8 =	sadd.s32 s9, s8;
	s5 =	ssub.s32 s5, s10  }
0xc: {  	s9 =	simm.s32 $0x6400;
	s10 =	simm.s32 $0xA400;
	s4 =	sadd.s32 s7, s4  }
0xd: {  	s31 =	sshrl.u32 s8, $0x3;
	s5 =	smax.u32 s5, $0x1;
	s7 =	simm.s32 $0x3  }
0xe: {  	s8 =	simm.s32 $0x80;
	s4 =	sadd.s32 $0x400, s4;
	s6 =	sadd.s32 s31, s6  }
.LBB2_1:
0xf: {  	[tilespmem:s3], [sflag:$0x3] =	stream.linear.gather [hbm4b:s4+s3], $0x6400, $0x38;
	[tilespmem:$0x1E400] =	vst v63  }
0x10: {  	s17 =	smul.u32 $0xAB, s3;
	s16 =	simm.s32 $0x1  }
0x11: {  	s19 =	simm.s32 $0x3;
	p0 =	por $0x0, $0x0;
	_ =	swait.ge [sflag:s7], $0x6400  }
0x12: {  	s21 =	simm.s32 $0x180;
	[sflag:s7] =	ssyncset.done $0x0;
	s17 =	sshrl.u32 s17, $0xA  }
0x13: {  	s18 =	smul.u32 $0xAB, s16;
	[sflag:s7] =	ssyncadd.s32 $0xFFFF9C00;
	s17 =	sand.u32 $0x3F, s17  }
0x14: {  	[tilespmem:s9], [sflag:$0x1] =	stream.indirect.gather [hbm4b:s1+s8], $0x80, s3, s8, $0xb8;
	[tilespmem:$0x1E400] =	vst v63  }
0x15: {  	s20 =	simm.s32 $0x2;
	p1 =	por @!p0 $0x1, $0x1;
	s17 =	smul.u32 $0x6, s17  }
0x16: {  	[tilespmem:s10], [sflag:$0x1] =	stream.indirect.gather [hbm4b:s1+s8], $0x80, s8, s8, $0xb8;
	[tilespmem:$0x1E400] =	vst v63  }
0x17: {  	s19 =	smul.u32 @!p0 $0xAB, s19;
	p1 =	por p1, p0;
	s17 =	ssub.s32 $0x0, s17  }
0x18: {  	[tilespmem:s12], [sflag:$0x1] =	stream.indirect.gather [hbm4b:s1+s8], $0x80, s11, s8, $0xb8;
	[tilespmem:$0x1E400] =	vst v63  }
0x19: {  	s19 =	sshrl.u32 @!p0 s19, $0xA;
	s17 =	sand.u32 $0xFF, s17;
	_ =	swait.ge [sflag:s13], $0x4000  }
0x1a: {  	s19 =	sand.u32 @!p0 $0x3F, s19;
	s17 =	sshll.u32 s17, $0xE;
	[sflag:s13] =	ssyncset.done $0x0  }
0x1b: {  	s19 =	smul.u32 @!p0 $0x6, s19;
	s17 =	sadd.s32 $0x6400, s17;
	[sflag:s13] =	ssyncadd.s32 $0xFFFFC000  }
0x1c: {  	[hbm4b:s6+s3] =	stream.linear.scatter [tilespmem:s17], [sflag:$0x2], $0x4000, $0x38;
	[tilespmem:$0x1E400] =	vst v63  }
0x1d: {  	s22 =	simm.s32 @!p0 $0x80;
	s23 =	simm.s32 @!p1 $0x2;
	s17 =	ssub.s32 @!p0 $0x3, s19  }
0x1e: {  	_ =	swait.ge @!p1 [sflag:s23], $0x4000;
	s19 =	sand.u32 @!p0 $0xFF, s17;
	s17 =	simm.s32 $0x200  }
0x1f: {  	[sflag:s23] =	ssyncset.done @!p1 $0x0;
	s24 =	sshll.u32 @!p0 s19, $0xE;
	s19 =	sadd.s32 $0x800, s6  }
.LBB2_2:
0x20: {  	s25 =	smul.u32 $0xAB, s20  }
0x21: {  	[sflag:s23] =	ssyncadd.s32 @!p1 $0xFFFFC000;
	s23 =	sadd.s32 @!p0 $0x6400, s24;
	s24 =	smov.u32 s20  }
0x22: {  	[tilespmem:s23], [sflag:$0x1] =	stream.indirect.gather @!p0 [hbm4b:s1+s22], $0x80, s21, s22, $0xb8;
	[tilespmem:$0x1E400] =	vst v63  }
0x23: {  	s21 =	sshrl.u32 s18, $0xA  }
0x24: {  	s20 =	sadd.s32 $0x1, s20;
	s18 =	smov.u32 s25;
	s21 =	sand.u32 $0x3F, s21  }
0x25: {  	p0 =	sgt.u32 s16, $0xC4;
	s25 =	sadd.s32 $0x3, s16;
	s23 =	smul.u32 $0x6, s21  }
0x26: {  	p1 =	slt.u32 @!p0 s16, $0x3;
	s22 =	simm.s32 @!p0 $0x80;
	s26 =	smul.u32 @!p0 $0xAB, s25  }
0x27: {  	p2 =	sne.s32 s20, $0xC8;
	s21 =	smov.u32 s17;
	p1 =	por p1, p0  }
0x28: {  	s23 =	ssub.s32 s16, s23;
	s16 =	smov.u32 s24;
	s24 =	sshrl.u32 @!p0 s26, $0xA  }
0x29: {  	s23 =	sand.u32 $0xFF, s23;
	s24 =	sand.u32 @!p0 $0x3F, s24;
	_ =	swait.ge [sflag:s13], $0x4000  }
0x2a: {  	s23 =	sshll.u32 s23, $0xE;
	s24 =	smul.u32 @!p0 $0x6, s24;
	[sflag:s13] =	ssyncset.done $0x0  }
.Ltmp0:
0x2b: {  	s23 =	sadd.s32 $0x6400, s23;
	[sflag:s13] =	ssyncadd.s32 $0xFFFFC000;
	(pc) =	sbr.rel @p2 .LBB2_2-.Ltmp0, $4  }
0x2c: {  	[hbm4b:s19+s3] =	stream.linear.scatter [tilespmem:s23], [sflag:$0x2], $0x4000, $0x38;
	[tilespmem:$0x1E400] =	vst v63  }
0x2d: {  	s24 =	ssub.s32 @!p0 s25, s24;
	s23 =	simm.s32 @!p1 $0x2  }
0x2e: {  	s17 =	sadd.s32 $0x80, s17;
	s24 =	sand.u32 @!p0 $0xFF, s24;
	_ =	swait.ge @!p1 [sflag:s23], $0x4000  }
0x2f: {  	s19 =	sadd.s32 $0x800, s19;
	s24 =	sshll.u32 @!p0 s24, $0xE;
	[sflag:s23] =	ssyncset.done @!p1 $0x0  }
0x30: {  	[sflag:s23] =	ssyncadd.s32 @!p1 $0xFFFFC000;
	s20 =	sadd.s32 @!p0 $0x6400, s24;
	s18 =	sshrl.u32 s18, $0xA  }
0x31: {  	[tilespmem:s20], [sflag:$0x1] =	stream.indirect.gather @!p0 [hbm4b:s1+s22], $0x80, s21, s22, $0xb8;
	[tilespmem:$0x1E400] =	vst v63  }
0x32: {  	s18 =	sand.u32 $0x3F, s18  }
0x33: {  	s20 =	sadd.s32 $0x3, s16;
	p0 =	sgt.u32 s16, $0xC4;
	s18 =	smul.u32 $0x6, s18  }
0x34: {  	s21 =	smul.u32 @!p0 $0xAB, s20  }
0x35: {  	p1 =	slt.u32 @!p0 s16, $0x3;
	_ =	swait.ge [sflag:s13], $0x4000;
	s31 =	ssub.s32 s16, s18  }
0x36: {  	p1 =	por p1, p0;
	s18 =	sshrl.u32 @!p0 s21, $0xA;
	s16 =	sand.u32 $0xFF, s31  }
0x37: {  	[sflag:s13] =	ssyncset.done $0x0;
	s18 =	sand.u32 @!p0 $0x3F, s18;
	s16 =	sshll.u32 s16, $0xE  }
0x38: {  	[sflag:s13] =	ssyncadd.s32 $0xFFFFC000;
	s18 =	smul.u32 @!p0 $0x6, s18;
	s16 =	sadd.s32 $0x6400, s16  }
0x39: {  	[hbm4b:s19+s3] =	stream.linear.scatter [tilespmem:s16], [sflag:$0x2], $0x4000, $0x38;
	[tilespmem:$0x1E400] =	vst v63  }
0x3a: {  	s16 =	simm.s32 @!p1 $0x2;
	s18 =	ssub.s32 @!p0 s20, s18  }
0x3b: {  	_ =	swait.ge @!p1 [sflag:s16], $0x4000;
	s18 =	sand.u32 @!p0 $0xFF, s18  }
0x3c: {  	[sflag:s16] =	ssyncset.done @!p1 $0x0;
	s18 =	sshll.u32 @!p0 s18, $0xE  }
0x3d: {  	s19 =	simm.s32 @!p0 $0x80;
	[sflag:s16] =	ssyncadd.s32 @!p1 $0xFFFFC000;
	s16 =	sadd.s32 @!p0 $0x6400, s18  }
0x3e: {  	[tilespmem:s16], [sflag:$0x1] =	stream.indirect.gather @!p0 [hbm4b:s1+s19], $0x80, s17, s19, $0xb8;
	[tilespmem:$0x1E400] =	vst v63  }
0x3f: {  	_ =	swait.ge [sflag:s14], $0x4000  }
0x40: {  	[sflag:s14] =	ssyncset.done $0x0  }
0x41: {  	[sflag:s14] =	ssyncadd.s32 $0xFFFFC000  }
0x42: {  	_ =	swait.ge [sflag:s14], $0x4000  }
0x43: {  	[sflag:s14] =	ssyncset.done $0x0  }
0x44: {  	[sflag:s14] =	ssyncadd.s32 $0xFFFFC000  }
0x45: {  	_ =	swait.ge [sflag:s14], $0x4000  }
0x46: {  	[sflag:s14] =	ssyncset.done $0x0  }
0x47: {  	[sflag:s14] =	ssyncadd.s32 $0xFFFFC000  }
0x48: {  	_ =	swait.ge [sflag:s14], $0x4000  }
0x49: {  	[sflag:s14] =	ssyncset.done $0x0  }
0x4a: {  	s15 =	sadd.s32 $0x1, s15;
	[sflag:s14] =	ssyncadd.s32 $0xFFFFC000  }
0x4b: {  	p0 =	sne.s32 s15, s5;
	_ =	swait.ge [sflag:s14], $0x4000  }
.Ltmp1:
0x4c: {  	[sflag:s14] =	ssyncset.done $0x0;
	(pc) =	sbr.rel @p0 .LBB2_1-.Ltmp1, $4  }
0x4d: {  	[sflag:s14] =	ssyncadd.s32 $0xFFFFC000  }
0x4e: {  	_ =	swait.ge [sflag:s14], $0x4000  }
0x4f: {  	[sflag:s14] =	ssyncset.done $0x0  }
0x50: {  	[sflag:s14] =	ssyncadd.s32 $0xFFFFC000  }
0x51: {  	_ =	sfence.sel $0x180000  }
0x52: {  	[bflag:$0x0] =	sbarrier.arrive $0xFFFF  }
0x53: {  	p0 =	sne.s32 s2, $0x0;
	_ =	strace $0x90000047  }
0x54: {  	s0 =	sadd.s32 @!p0 $0x100000, s0;
	[bflag:$0x2] =	sbarrier.arrive $0xFFFF  }
0x55: {  	[sflag:s0] =	ssyncadd.tile.s32 @!p0 $0x1;
	_ =	shalt  }
.Lfunc_end2:
_tile_overlayer_lowered:
.L_overlay_start_2:
0x56: {  	(tag) =	ssettag $0x2  }
0x57: {  	s0 =	rddreg [dreg:$0x0];
	s2 =	stileid.u32  }
0x58: {  	s1 =	rddreg [dreg:$0x1];
	p0 =	sne.s32 s2, $0x0  }
0x59: {  	s3 =	rddreg [dreg:$0x2];
	[bflag:$0x3] =	sbarrier.arrive $0xFFFF;
	s2 =	simm.s32 @!p0 $0x1C03  }
0x5a: {  	[timem:s3], [sflag:s2] =	dma.local @!p0 [hbm:s0], s1  }
0x5b: {  	s0 =	simm.s32 @!p0 $0x3  }
0x5c: {  	_ =	swait.ge @!p0 [sflag:s0], s1  }
0x5d: {  	s1 =	ssub.s32 @!p0 $0x0, s1;
	[sflag:s0] =	ssyncset.done @!p0 $0x0  }
0x5e: {  	[sflag:s0] =	ssyncadd.s32 @!p0 s1  }
0x5f: {  	[bflag:$0x3] =	sbarrier.arrive $0xFFFF  }
0x60: {  	_ =	shalt  }

</sc_bundles>
